<compile_context>
chip_gen: v7x
topology: tpu7x:2x2x1
jax: 0.10.2.dev20260603
libtpu: 0.0.44.dev20260713+nightly
codegen_flags: <defaults>
</compile_context>

<pallas_src>
import functools

import jax
import jax.numpy as jnp
from jax import lax
from jax.experimental import pallas as pl
from jax.experimental.pallas import tpu as pltpu
from jax.experimental.pallas import tpu_sc as plsc

_HID = 768
_NEXP = 8
_LANES = 16
_NCORES = 2
_NSUB = 16
_NWORK = _NCORES * _NSUB
_TBLK = 128

_TC_BLK = 4096


def _logits_body(x_ref, w_ref, out_ref):
    logits = lax.dot_general(
        x_ref[...], w_ref[...],
        dimension_numbers=(((1,), (1,)), ((), ())),
        preferred_element_type=jnp.float32)
    t = jnp.transpose(logits)
    nblk = _TC_BLK // _TBLK
    out_ref[...] = jnp.transpose(
        t.reshape(_NEXP, nblk, _TBLK), (1, 0, 2))


def _compute_logits_t3(flat, w_t):
    n_tok = flat.shape[0]
    nblk = _TC_BLK // _TBLK
    return pl.pallas_call(
        _logits_body,
        grid=(n_tok // _TC_BLK,),
        in_specs=[
            pl.BlockSpec((_TC_BLK, _HID), lambda i: (i, 0)),
            pl.BlockSpec((_NEXP, _HID), lambda i: (0, 0)),
        ],
        out_specs=pl.BlockSpec((nblk, _NEXP, _TBLK), lambda i: (i, 0, 0)),
        out_shape=jax.ShapeDtypeStruct((n_tok // _TBLK, _NEXP, _TBLK),
                                       jnp.float32),
    )(flat, w_t)


def _make_router(n_tok):
    tpw = n_tok // _NWORK
    bpw = tpw // _TBLK

    @functools.partial(
        pl.kernel,
        mesh=plsc.VectorSubcoreMesh(core_axis_name="c", subcore_axis_name="s"),
        compiler_params=pltpu.CompilerParams(needs_layout_passes=False,
                                             skip_device_barrier=True),
        out_type=[
            jax.ShapeDtypeStruct((n_tok * 2,), jnp.float32),
            jax.ShapeDtypeStruct((n_tok * 2,), jnp.int32),
        ],
        scratch_types=[
            pltpu.VMEM((tpw * _NEXP,), jnp.float32),
            pltpu.VMEM((tpw * 2,), jnp.float32),
            pltpu.VMEM((tpw * 2,), jnp.int32),
        ],
    )
    def router(logits_hbm, w_hbm, i_hbm, lg_v, w_v, i_v):
        wid = lax.axis_index("s") * _NCORES + lax.axis_index("c")
        pltpu.sync_copy(logits_hbm.at[pl.ds(wid * tpw * _NEXP, tpw * _NEXP)],
                        lg_v)

        def group(k, carry):
            b = k >> 3
            g = k & 7
            lbase = b * (_TBLK * _NEXP) + g * _LANES
            ls = [lg_v[pl.ds(lbase + e * _TBLK, _LANES)] for e in range(_NEXP)]
            big = jnp.full((_LANES,), _NEXP, jnp.int32)
            m1 = ls[0]
            for e in range(1, _NEXP):
                m1 = jnp.maximum(m1, ls[e])
            i1 = big
            for e in range(_NEXP - 1, -1, -1):
                i1 = jnp.where(ls[e] == m1, e, i1)
            neg = jnp.full((_LANES,), -jnp.inf, jnp.float32)
            ms = [jnp.where(i1 == e, neg, ls[e]) for e in range(_NEXP)]
            m2 = ms[0]
            for e in range(1, _NEXP):
                m2 = jnp.maximum(m2, ms[e])
            i2 = big
            for e in range(_NEXP - 1, -1, -1):
                i2 = jnp.where(ms[e] == m2, e, i2)
            z = jnp.exp(m2 - m1)
            s = 1.0 + z
            w1 = 1.0 / s
            w2 = z / s
            obase = b * (_TBLK * 2) + g * _LANES
            w_v[pl.ds(obase, _LANES)] = w1
            w_v[pl.ds(obase + _TBLK, _LANES)] = w2
            i_v[pl.ds(obase, _LANES)] = i1
            i_v[pl.ds(obase + _TBLK, _LANES)] = i2
            return carry

        lax.fori_loop(0, bpw * (_TBLK // _LANES), group, 0)
        pltpu.sync_copy(w_v, w_hbm.at[pl.ds(wid * tpw * 2, tpw * 2)])
        pltpu.sync_copy(i_v, i_hbm.at[pl.ds(wid * tpw * 2, tpw * 2)])

    return router


def kernel(hidden_states, gate_w):
    b, s, h = hidden_states.shape
    flat = hidden_states.reshape(-1, h)
    n_tok = flat.shape[0]
    nblk = n_tok // _TBLK
    logits_t3 = _compute_logits_t3(flat, gate_w)
    w_flat, i_flat = _make_router(n_tok)(logits_t3.reshape(-1))
    weights = w_flat.reshape(nblk, 2, _TBLK).transpose(0, 2, 1)
    weights = weights.reshape(n_tok, 2)
    indices = i_flat.reshape(nblk, 2, _TBLK).transpose(0, 2, 1)
    indices = indices.reshape(n_tok, 2)
    logits = logits_t3.transpose(0, 2, 1).reshape(n_tok, _NEXP)
    return weights, indices, logits

# --- scband reference (transcript-rebuilt; emitter-appended) ---
"""Pipeline reference for scband-mo-egate-28802050687486 (READ-ONLY COPY).

The authoritative reference and input builder live on the scoring server;
editing this copy changes nothing except your own understanding.
"""

import jax, jax.numpy as jnp
import numpy as np

HIDDEN = 768
NUM_EXPERTS = 8
TOP_K = 2

def setup_inputs(seed: int = 0) -> dict:
    key = jax.random.key(seed)
    k1, k2 = jax.random.split(key)
    hidden_states = jax.random.normal(k1, (4, 8192, HIDDEN), dtype=jnp.float32)
    # nn.Linear(hidden_size, num_experts, bias=False) weight: [num_experts, hidden_size]
    gate_w = jax.random.normal(k2, (NUM_EXPERTS, HIDDEN), dtype=jnp.float32) * (1.0 / np.sqrt(HIDDEN))
    return {"hidden_states": hidden_states, "gate_w": gate_w}

def reference(hidden_states, gate_w):
    b, s, h = hidden_states.shape
    flat = hidden_states.reshape(-1, h)
    router_logits = flat @ gate_w.T
    topk_weights, topk_indices = jax.lax.top_k(router_logits, TOP_K)
    expert_weights = jax.nn.softmax(topk_weights.astype(jnp.float32), axis=-1).astype(hidden_states.dtype)
    return (expert_weights, topk_indices, router_logits)

if __name__ == "__main__":
    import jax
    _d = setup_inputs()
    print(jax.jit(kernel)(*tuple(_d.values())))

</pallas_src>

<mosaic_0001>
#map = affine_map<(d0, d1) -> (0)>
module attributes {stable_mosaic.version = 14 : i64} {
  func.func @router(%arg0: i32, %arg1: i32, %arg2: memref<262144xf32, #tpu.memory_space<hbm>>, %arg3: memref<65536xf32, #tpu.memory_space<hbm>>, %arg4: memref<65536xi32, #tpu.memory_space<hbm>>, %arg5: memref<8192xf32, #tpu.memory_space<vmem>>, %arg6: memref<2048xf32, #tpu.memory_space<vmem>>, %arg7: memref<2048xi32, #tpu.memory_space<vmem>>) attributes {dimension_semantics = [#tpu.dimension_semantics<core_parallel>, #tpu.dimension_semantics<subcore_parallel>], iteration_bounds = array<i64: 2, 16>, scalar_prefetch = 0 : i64, scratch_operands = 3 : i64, tpu.core_type = #tpu.core_type<sc_vector_subcore>, window_params = [{transform_indices = #map}, {transform_indices = #map}, {transform_indices = #map}]} {
    %mul3A = arith.constant 2 : i32
    %mul3A_0 = arith.muli %arg1, %mul3A : i32
    %add3A = arith.addi %mul3A_0, %arg0 : i32
    %mul3A_1 = arith.constant 1024 : i32
    %mul3A_2 = arith.muli %add3A, %mul3A_1 : i32
    %mul3A_3 = arith.constant 8 : i32
    %mul3A_4 = arith.muli %mul3A_2, %mul3A_3 : i32
    "tpu.region"() ({
      %run_scoped3A = tpu.sem_alloc : memref<!tpu.dma_semaphore, #tpu.memory_space<semaphore_mem>>
      %dma_start3A = tpu.memref_slice %arg2[%mul3A_4] : memref<262144xf32, #tpu.memory_space<hbm>> -> memref<8192xf32, #tpu.memory_space<hbm>>
      %dma_start3A_18 = tpu.memref_slice %arg2[%mul3A_4] : memref<262144xf32, #tpu.memory_space<hbm>> -> memref<8192xf32, #tpu.memory_space<hbm>>
      tpu.enqueue_dma source(%dma_start3A_18 : memref<8192xf32, #tpu.memory_space<hbm>>) target(%arg5 : memref<8192xf32, #tpu.memory_space<vmem>>) target_semaphore(%run_scoped3A : memref<!tpu.dma_semaphore, #tpu.memory_space<semaphore_mem>>)
      %dma_wait3A = tpu.memref_slice %arg2[%mul3A_4] : memref<262144xf32, #tpu.memory_space<hbm>> -> memref<8192xf32, #tpu.memory_space<hbm>>
      %dma_wait3A_19 = tpu.memref_slice %arg2[%mul3A_4] : memref<262144xf32, #tpu.memory_space<hbm>> -> memref<8192xf32, #tpu.memory_space<hbm>>
      tpu.wait_dma2 semaphore(%run_scoped3A : memref<!tpu.dma_semaphore, #tpu.memory_space<semaphore_mem>>) src(%dma_wait3A_19 : memref<8192xf32, #tpu.memory_space<hbm>>) dst(%arg5 : memref<8192xf32, #tpu.memory_space<vmem>>)
      tpu.yield
    }) : () -> ()
    %scan3A = arith.constant 0 : i32
    %scan3A_5 = arith.constant 0 : i32
    %scan3A_6 = arith.constant 64 : i32
    %scan3A_7 = arith.addi %scan3A_5, %scan3A_6 : i32
    %scan3A_8 = arith.constant 1 : i32
    scf.for %scan3A_18 = %scan3A_5 to %scan3A_7 step %scan3A_8  : i32 {
      %shift_right_arithmetic3A = arith.constant 3 : i32
      %shift_right_arithmetic3A_19 = arith.shrsi %scan3A_18, %shift_right_arithmetic3A : i32
      %and3A = arith.constant 7 : i32
      %and3A_20 = arith.andi %scan3A_18, %and3A : i32
      %mul3A_21 = arith.constant 1024 : i32
      %mul3A_22 = arith.muli %shift_right_arithmetic3A_19, %mul3A_21 : i32
      %mul3A_23 = arith.constant 16 : i32
      %mul3A_24 = arith.muli %and3A_20, %mul3A_23 : i32
      %add3A_25 = arith.addi %mul3A_22, %mul3A_24 : i32
      %add3A_26 = arith.constant 0 : i32
      %add3A_27 = arith.addi %add3A_25, %add3A_26 : i32
      %get3A = arith.index_cast %add3A_27 : i32 to index
      %get3A_28 = tpu.vector_load %arg5[%get3A] {strides = array<i32>} : memref<8192xf32, #tpu.memory_space<vmem>>, vector<16xf32>,
      %add3A_29 = arith.constant 128 : i32
      %add3A_30 = arith.addi %add3A_25, %add3A_29 : i32
      %get3A_31 = arith.index_cast %add3A_30 : i32 to index
      %get3A_32 = tpu.vector_load %arg5[%get3A_31] {strides = array<i32>} : memref<8192xf32, #tpu.memory_space<vmem>>, vector<16xf32>,
      %add3A_33 = arith.constant 256 : i32
      %add3A_34 = arith.addi %add3A_25, %add3A_33 : i32
      %get3A_35 = arith.index_cast %add3A_34 : i32 to index
      %get3A_36 = tpu.vector_load %arg5[%get3A_35] {strides = array<i32>} : memref<8192xf32, #tpu.memory_space<vmem>>, vector<16xf32>,
      %add3A_37 = arith.constant 384 : i32
      %add3A_38 = arith.addi %add3A_25, %add3A_37 : i32
      %get3A_39 = arith.index_cast %add3A_38 : i32 to index
      %get3A_40 = tpu.vector_load %arg5[%get3A_39] {strides = array<i32>} : memref<8192xf32, #tpu.memory_space<vmem>>, vector<16xf32>,
      %add3A_41 = arith.constant 512 : i32
      %add3A_42 = arith.addi %add3A_25, %add3A_41 : i32
      %get3A_43 = arith.index_cast %add3A_42 : i32 to index
      %get3A_44 = tpu.vector_load %arg5[%get3A_43] {strides = array<i32>} : memref<8192xf32, #tpu.memory_space<vmem>>, vector<16xf32>,
      %add3A_45 = arith.constant 640 : i32
      %add3A_46 = arith.addi %add3A_25, %add3A_45 : i32
      %get3A_47 = arith.index_cast %add3A_46 : i32 to index
      %get3A_48 = tpu.vector_load %arg5[%get3A_47] {strides = array<i32>} : memref<8192xf32, #tpu.memory_space<vmem>>, vector<16xf32>,
      %add3A_49 = arith.constant 768 : i32
      %add3A_50 = arith.addi %add3A_25, %add3A_49 : i32
      %get3A_51 = arith.index_cast %add3A_50 : i32 to index
      %get3A_52 = tpu.vector_load %arg5[%get3A_51] {strides = array<i32>} : memref<8192xf32, #tpu.memory_space<vmem>>, vector<16xf32>,
      %add3A_53 = arith.constant 896 : i32
      %add3A_54 = arith.addi %add3A_25, %add3A_53 : i32
      %get3A_55 = arith.index_cast %add3A_54 : i32 to index
      %get3A_56 = tpu.vector_load %arg5[%get3A_55] {strides = array<i32>} : memref<8192xf32, #tpu.memory_space<vmem>>, vector<16xf32>,
      %broadcast_in_dim3A = arith.constant 8 : i32
      %broadcast_in_dim3A_57 = vector.broadcast %broadcast_in_dim3A : i32 to vector<16xi32>
      %max3A = arith.maximumf %get3A_28, %get3A_32 : vector<16xf32>
      %max3A_58 = arith.maximumf %max3A, %get3A_36 : vector<16xf32>
      %max3A_59 = arith.maximumf %max3A_58, %get3A_40 : vector<16xf32>
      %max3A_60 = arith.maximumf %max3A_59, %get3A_44 : vector<16xf32>
      %max3A_61 = arith.maximumf %max3A_60, %get3A_48 : vector<16xf32>
      %max3A_62 = arith.maximumf %max3A_61, %get3A_52 : vector<16xf32>
      %max3A_63 = arith.maximumf %max3A_62, %get3A_56 : vector<16xf32>
      %eq3A = arith.cmpf oeq, %get3A_56, %max3A_63 : vector<16xf32>
      %jit3A = arith.constant 7 : i32
      %broadcast_in_dim3A_64 = vector.broadcast %jit3A : i32 to vector<16xi32>
      %select_n3A = arith.select %eq3A, %broadcast_in_dim3A_64, %broadcast_in_dim3A_57 : vector<16xi1>, vector<16xi32>
      %eq3A_65 = arith.cmpf oeq, %get3A_52, %max3A_63 : vector<16xf32>
      %jit3A_66 = arith.constant 6 : i32
      %broadcast_in_dim3A_67 = vector.broadcast %jit3A_66 : i32 to vector<16xi32>
      %select_n3A_68 = arith.select %eq3A_65, %broadcast_in_dim3A_67, %select_n3A : vector<16xi1>, vector<16xi32>
      %eq3A_69 = arith.cmpf oeq, %get3A_48, %max3A_63 : vector<16xf32>
      %jit3A_70 = arith.constant 5 : i32
      %broadcast_in_dim3A_71 = vector.broadcast %jit3A_70 : i32 to vector<16xi32>
      %select_n3A_72 = arith.select %eq3A_69, %broadcast_in_dim3A_71, %select_n3A_68 : vector<16xi1>, vector<16xi32>
      %eq3A_73 = arith.cmpf oeq, %get3A_44, %max3A_63 : vector<16xf32>
      %jit3A_74 = arith.constant 4 : i32
      %broadcast_in_dim3A_75 = vector.broadcast %jit3A_74 : i32 to vector<16xi32>
      %select_n3A_76 = arith.select %eq3A_73, %broadcast_in_dim3A_75, %select_n3A_72 : vector<16xi1>, vector<16xi32>
      %eq3A_77 = arith.cmpf oeq, %get3A_40, %max3A_63 : vector<16xf32>
      %jit3A_78 = arith.constant 3 : i32
      %broadcast_in_dim3A_79 = vector.broadcast %jit3A_78 : i32 to vector<16xi32>
      %select_n3A_80 = arith.select %eq3A_77, %broadcast_in_dim3A_79, %select_n3A_76 : vector<16xi1>, vector<16xi32>
      %eq3A_81 = arith.cmpf oeq, %get3A_36, %max3A_63 : vector<16xf32>
      %jit3A_82 = arith.constant 2 : i32
      %broadcast_in_dim3A_83 = vector.broadcast %jit3A_82 : i32 to vector<16xi32>
      %select_n3A_84 = arith.select %eq3A_81, %broadcast_in_dim3A_83, %select_n3A_80 : vector<16xi1>, vector<16xi32>
      %eq3A_85 = arith.cmpf oeq, %get3A_32, %max3A_63 : vector<16xf32>
      %jit3A_86 = arith.constant 1 : i32
      %broadcast_in_dim3A_87 = vector.broadcast %jit3A_86 : i32 to vector<16xi32>
      %select_n3A_88 = arith.select %eq3A_85, %broadcast_in_dim3A_87, %select_n3A_84 : vector<16xi1>, vector<16xi32>
      %eq3A_89 = arith.cmpf oeq, %get3A_28, %max3A_63 : vector<16xf32>
      %jit3A_90 = arith.constant 0 : i32
      %broadcast_in_dim3A_91 = vector.broadcast %jit3A_90 : i32 to vector<16xi32>
      %select_n3A_92 = arith.select %eq3A_89, %broadcast_in_dim3A_91, %select_n3A_88 : vector<16xi1>, vector<16xi32>
      %broadcast_in_dim3A_93 = arith.constant 0xFF800000 : f32
      %broadcast_in_dim3A_94 = vector.broadcast %broadcast_in_dim3A_93 : f32 to vector<16xf32>
      %eq3A_95 = arith.constant 0 : i32
      %eq3A_96 = vector.broadcast %eq3A_95 : i32 to vector<16xi32>
      %eq3A_97 = arith.cmpi eq, %select_n3A_92, %eq3A_96 : vector<16xi32>
      %select_n3A_98 = arith.select %eq3A_97, %broadcast_in_dim3A_94, %get3A_28 : vector<16xi1>, vector<16xf32>
      %eq3A_99 = arith.constant 1 : i32
      %eq3A_100 = vector.broadcast %eq3A_99 : i32 to vector<16xi32>
      %eq3A_101 = arith.cmpi eq, %select_n3A_92, %eq3A_100 : vector<16xi32>
      %select_n3A_102 = arith.select %eq3A_101, %broadcast_in_dim3A_94, %get3A_32 : vector<16xi1>, vector<16xf32>
      %eq3A_103 = arith.constant 2 : i32
      %eq3A_104 = vector.broadcast %eq3A_103 : i32 to vector<16xi32>
      %eq3A_105 = arith.cmpi eq, %select_n3A_92, %eq3A_104 : vector<16xi32>
      %select_n3A_106 = arith.select %eq3A_105, %broadcast_in_dim3A_94, %get3A_36 : vector<16xi1>, vector<16xf32>
      %eq3A_107 = arith.constant 3 : i32
      %eq3A_108 = vector.broadcast %eq3A_107 : i32 to vector<16xi32>
      %eq3A_109 = arith.cmpi eq, %select_n3A_92, %eq3A_108 : vector<16xi32>
      %select_n3A_110 = arith.select %eq3A_109, %broadcast_in_dim3A_94, %get3A_40 : vector<16xi1>, vector<16xf32>
      %eq3A_111 = arith.constant 4 : i32
      %eq3A_112 = vector.broadcast %eq3A_111 : i32 to vector<16xi32>
      %eq3A_113 = arith.cmpi eq, %select_n3A_92, %eq3A_112 : vector<16xi32>
      %select_n3A_114 = arith.select %eq3A_113, %broadcast_in_dim3A_94, %get3A_44 : vector<16xi1>, vector<16xf32>
      %eq3A_115 = arith.constant 5 : i32
      %eq3A_116 = vector.broadcast %eq3A_115 : i32 to vector<16xi32>
      %eq3A_117 = arith.cmpi eq, %select_n3A_92, %eq3A_116 : vector<16xi32>
      %select_n3A_118 = arith.select %eq3A_117, %broadcast_in_dim3A_94, %get3A_48 : vector<16xi1>, vector<16xf32>
      %eq3A_119 = arith.constant 6 : i32
      %eq3A_120 = vector.broadcast %eq3A_119 : i32 to vector<16xi32>
      %eq3A_121 = arith.cmpi eq, %select_n3A_92, %eq3A_120 : vector<16xi32>
      %select_n3A_122 = arith.select %eq3A_121, %broadcast_in_dim3A_94, %get3A_52 : vector<16xi1>, vector<16xf32>
      %eq3A_123 = arith.constant 7 : i32
      %eq3A_124 = vector.broadcast %eq3A_123 : i32 to vector<16xi32>
      %eq3A_125 = arith.cmpi eq, %select_n3A_92, %eq3A_124 : vector<16xi32>
      %select_n3A_126 = arith.select %eq3A_125, %broadcast_in_dim3A_94, %get3A_56 : vector<16xi1>, vector<16xf32>
      %max3A_127 = arith.maximumf %select_n3A_98, %select_n3A_102 : vector<16xf32>
      %max3A_128 = arith.maximumf %max3A_127, %select_n3A_106 : vector<16xf32>
      %max3A_129 = arith.maximumf %max3A_128, %select_n3A_110 : vector<16xf32>
      %max3A_130 = arith.maximumf %max3A_129, %select_n3A_114 : vector<16xf32>
      %max3A_131 = arith.maximumf %max3A_130, %select_n3A_118 : vector<16xf32>
      %max3A_132 = arith.maximumf %max3A_131, %select_n3A_122 : vector<16xf32>
      %max3A_133 = arith.maximumf %max3A_132, %select_n3A_126 : vector<16xf32>
      %eq3A_134 = arith.cmpf oeq, %select_n3A_126, %max3A_133 : vector<16xf32>
      %jit3A_135 = arith.constant 7 : i32
      %broadcast_in_dim3A_136 = vector.broadcast %jit3A_135 : i32 to vector<16xi32>
      %select_n3A_137 = arith.select %eq3A_134, %broadcast_in_dim3A_136, %broadcast_in_dim3A_57 : vector<16xi1>, vector<16xi32>
      %eq3A_138 = arith.cmpf oeq, %select_n3A_122, %max3A_133 : vector<16xf32>
      %jit3A_139 = arith.constant 6 : i32
      %broadcast_in_dim3A_140 = vector.broadcast %jit3A_139 : i32 to vector<16xi32>
      %select_n3A_141 = arith.select %eq3A_138, %broadcast_in_dim3A_140, %select_n3A_137 : vector<16xi1>, vector<16xi32>
      %eq3A_142 = arith.cmpf oeq, %select_n3A_118, %max3A_133 : vector<16xf32>
      %jit3A_143 = arith.constant 5 : i32
      %broadcast_in_dim3A_144 = vector.broadcast %jit3A_143 : i32 to vector<16xi32>
      %select_n3A_145 = arith.select %eq3A_142, %broadcast_in_dim3A_144, %select_n3A_141 : vector<16xi1>, vector<16xi32>
      %eq3A_146 = arith.cmpf oeq, %select_n3A_114, %max3A_133 : vector<16xf32>
      %jit3A_147 = arith.constant 4 : i32
      %broadcast_in_dim3A_148 = vector.broadcast %jit3A_147 : i32 to vector<16xi32>
      %select_n3A_149 = arith.select %eq3A_146, %broadcast_in_dim3A_148, %select_n3A_145 : vector<16xi1>, vector<16xi32>
      %eq3A_150 = arith.cmpf oeq, %select_n3A_110, %max3A_133 : vector<16xf32>
      %jit3A_151 = arith.constant 3 : i32
      %broadcast_in_dim3A_152 = vector.broadcast %jit3A_151 : i32 to vector<16xi32>
      %select_n3A_153 = arith.select %eq3A_150, %broadcast_in_dim3A_152, %select_n3A_149 : vector<16xi1>, vector<16xi32>
      %eq3A_154 = arith.cmpf oeq, %select_n3A_106, %max3A_133 : vector<16xf32>
      %jit3A_155 = arith.constant 2 : i32
      %broadcast_in_dim3A_156 = vector.broadcast %jit3A_155 : i32 to vector<16xi32>
      %select_n3A_157 = arith.select %eq3A_154, %broadcast_in_dim3A_156, %select_n3A_153 : vector<16xi1>, vector<16xi32>
      %eq3A_158 = arith.cmpf oeq, %select_n3A_102, %max3A_133 : vector<16xf32>
      %jit3A_159 = arith.constant 1 : i32
      %broadcast_in_dim3A_160 = vector.broadcast %jit3A_159 : i32 to vector<16xi32>
      %select_n3A_161 = arith.select %eq3A_158, %broadcast_in_dim3A_160, %select_n3A_157 : vector<16xi1>, vector<16xi32>
      %eq3A_162 = arith.cmpf oeq, %select_n3A_98, %max3A_133 : vector<16xf32>
      %jit3A_163 = arith.constant 0 : i32
      %broadcast_in_dim3A_164 = vector.broadcast %jit3A_163 : i32 to vector<16xi32>
      %select_n3A_165 = arith.select %eq3A_162, %broadcast_in_dim3A_164, %select_n3A_161 : vector<16xi1>, vector<16xi32>
      %sub3A = arith.subf %max3A_133, %max3A_63 : vector<16xf32>
      %exp3A = math.exp %sub3A : vector<16xf32>
      %add3A_166 = arith.constant 1.000000e+00 : f32
      %add3A_167 = vector.broadcast %add3A_166 : f32 to vector<16xf32>
      %add3A_168 = arith.addf %add3A_167, %exp3A : vector<16xf32>
      %div3A = arith.constant 1.000000e+00 : f32
      %div3A_169 = vector.broadcast %div3A : f32 to vector<16xf32>
      %div3A_170 = arith.divf %div3A_169, %add3A_168 : vector<16xf32>
      %div3A_171 = arith.divf %exp3A, %add3A_168 : vector<16xf32>
      %mul3A_172 = arith.constant 256 : i32
      %mul3A_173 = arith.muli %shift_right_arithmetic3A_19, %mul3A_172 : i32
      %mul3A_174 = arith.constant 16 : i32
      %mul3A_175 = arith.muli %and3A_20, %mul3A_174 : i32
      %add3A_176 = arith.addi %mul3A_173, %mul3A_175 : i32
      %swap3A = arith.index_cast %add3A_176 : i32 to index
      %swap3A_177 = tpu.vector_load %arg6[%swap3A] {strides = array<i32>} : memref<2048xf32, #tpu.memory_space<vmem>>, vector<16xf32>,
      tpu.vector_store %arg6[%swap3A], %div3A_170 {strides = array<i32>} : memref<2048xf32, #tpu.memory_space<vmem>>, vector<16xf32>,
      %add3A_178 = arith.constant 128 : i32
      %add3A_179 = arith.addi %add3A_176, %add3A_178 : i32
      %swap3A_180 = arith.index_cast %add3A_179 : i32 to index
      %swap3A_181 = tpu.vector_load %arg6[%swap3A_180] {strides = array<i32>} : memref<2048xf32, #tpu.memory_space<vmem>>, vector<16xf32>,
      tpu.vector_store %arg6[%swap3A_180], %div3A_171 {strides = array<i32>} : memref<2048xf32, #tpu.memory_space<vmem>>, vector<16xf32>,
      %swap3A_182 = arith.index_cast %add3A_176 : i32 to index
      %swap3A_183 = tpu.vector_load %arg7[%swap3A_182] {strides = array<i32>} : memref<2048xi32, #tpu.memory_space<vmem>>, vector<16xi32>,
      tpu.vector_store %arg7[%swap3A_182], %select_n3A_92 {strides = array<i32>} : memref<2048xi32, #tpu.memory_space<vmem>>, vector<16xi32>,
      %add3A_184 = arith.constant 128 : i32
      %add3A_185 = arith.addi %add3A_176, %add3A_184 : i32
      %swap3A_186 = arith.index_cast %add3A_185 : i32 to index
      %swap3A_187 = tpu.vector_load %arg7[%swap3A_186] {strides = array<i32>} : memref<2048xi32, #tpu.memory_space<vmem>>, vector<16xi32>,
      tpu.vector_store %arg7[%swap3A_186], %select_n3A_165 {strides = array<i32>} : memref<2048xi32, #tpu.memory_space<vmem>>, vector<16xi32>,
    }
    %scan3A_9 = arith.constant 64 : i32
    %mul3A_10 = arith.constant 1024 : i32
    %mul3A_11 = arith.muli %add3A, %mul3A_10 : i32
    %mul3A_12 = arith.constant 2 : i32
    %mul3A_13 = arith.muli %mul3A_11, %mul3A_12 : i32
    "tpu.region"() ({
      %run_scoped3A = tpu.sem_alloc : memref<!tpu.dma_semaphore, #tpu.memory_space<semaphore_mem>>
      %dma_start3A = tpu.memref_slice %arg3[%mul3A_13] : memref<65536xf32, #tpu.memory_space<hbm>> -> memref<2048xf32, #tpu.memory_space<hbm>>
      %dma_start3A_18 = tpu.memref_slice %arg3[%mul3A_13] : memref<65536xf32, #tpu.memory_space<hbm>> -> memref<2048xf32, #tpu.memory_space<hbm>>
      tpu.enqueue_dma source(%arg6 : memref<2048xf32, #tpu.memory_space<vmem>>) target(%dma_start3A_18 : memref<2048xf32, #tpu.memory_space<hbm>>) target_semaphore(%run_scoped3A : memref<!tpu.dma_semaphore, #tpu.memory_space<semaphore_mem>>)
      %dma_wait3A = tpu.memref_slice %arg3[%mul3A_13] : memref<65536xf32, #tpu.memory_space<hbm>> -> memref<2048xf32, #tpu.memory_space<hbm>>
      %dma_wait3A_19 = tpu.memref_slice %arg3[%mul3A_13] : memref<65536xf32, #tpu.memory_space<hbm>> -> memref<2048xf32, #tpu.memory_space<hbm>>
      tpu.wait_dma2 semaphore(%run_scoped3A : memref<!tpu.dma_semaphore, #tpu.memory_space<semaphore_mem>>) src(%arg6 : memref<2048xf32, #tpu.memory_space<vmem>>) dst(%dma_wait3A_19 : memref<2048xf32, #tpu.memory_space<hbm>>)
      tpu.yield
    }) : () -> ()
    %mul3A_14 = arith.constant 1024 : i32
    %mul3A_15 = arith.muli %add3A, %mul3A_14 : i32
    %mul3A_16 = arith.constant 2 : i32
    %mul3A_17 = arith.muli %mul3A_15, %mul3A_16 : i32
    "tpu.region"() ({
      %run_scoped3A = tpu.sem_alloc : memref<!tpu.dma_semaphore, #tpu.memory_space<semaphore_mem>>
      %dma_start3A = tpu.memref_slice %arg4[%mul3A_17] : memref<65536xi32, #tpu.memory_space<hbm>> -> memref<2048xi32, #tpu.memory_space<hbm>>
      %dma_start3A_18 = tpu.memref_slice %arg4[%mul3A_17] : memref<65536xi32, #tpu.memory_space<hbm>> -> memref<2048xi32, #tpu.memory_space<hbm>>
      tpu.enqueue_dma source(%arg7 : memref<2048xi32, #tpu.memory_space<vmem>>) target(%dma_start3A_18 : memref<2048xi32, #tpu.memory_space<hbm>>) target_semaphore(%run_scoped3A : memref<!tpu.dma_semaphore, #tpu.memory_space<semaphore_mem>>)
      %dma_wait3A = tpu.memref_slice %arg4[%mul3A_17] : memref<65536xi32, #tpu.memory_space<hbm>> -> memref<2048xi32, #tpu.memory_space<hbm>>
      %dma_wait3A_19 = tpu.memref_slice %arg4[%mul3A_17] : memref<65536xi32, #tpu.memory_space<hbm>> -> memref<2048xi32, #tpu.memory_space<hbm>>
      tpu.wait_dma2 semaphore(%run_scoped3A : memref<!tpu.dma_semaphore, #tpu.memory_space<semaphore_mem>>) src(%arg7 : memref<2048xi32, #tpu.memory_space<vmem>>) dst(%dma_wait3A_19 : memref<2048xi32, #tpu.memory_space<hbm>>)
      tpu.yield
    }) : () -> ()
    return
  }
}

module attributes {stable_mosaic.version = 14 : i64} {
  func.func @_logits_body(%arg0: i32, %arg1: memref<4096x768xf32, #tpu.memory_space<vmem>>, %arg2: memref<8x768xf32, #tpu.memory_space<vmem>>, %arg3: memref<32x8x128xf32, #tpu.memory_space<vmem>>) attributes {dimension_semantics = [#tpu.dimension_semantics<arbitrary>], iteration_bounds = array<i64: 8>, scalar_prefetch = 0 : i64, scratch_operands = 0 : i64, tpu.core_type = #tpu.core_type<tc>, window_params = [{transform_indices = @transform_0, window_bounds = array<i64: 4096, 768>}, {pipeline_mode = #tpu.pipeline_mode<synchronous>, transform_indices = @transform_1, window_bounds = array<i64: 8, 768>}, {transform_indices = @transform_2, window_bounds = array<i64: 32, 8, 128>}]} {
    %get3A = arith.constant 0 : index
    %get3A_0 = arith.constant 0 : index
    %get3A_1 = vector.load %arg1[%get3A, %get3A_0] : memref<4096x768xf32, #tpu.memory_space<vmem>>, vector<4096x768xf32>
    %get3A_2 = arith.constant 0 : index
    %get3A_3 = arith.constant 0 : index
    %get3A_4 = vector.load %arg2[%get3A_2, %get3A_3] : memref<8x768xf32, #tpu.memory_space<vmem>>, vector<8x768xf32>
    %dot_general3A = arith.constant dense<0.000000e+00> : vector<4096x8xf32>
    %dot_general3A_5 = tpu.matmul %get3A_1, %get3A_4, %dot_general3A {dimension_numbers = #tpu.dot_dimension_numbers<[1], [1], [0], [0], [0, 0, 1, 0], [], []>, transpose_lhs_hint = false} : vector<4096x768xf32>, vector<8x768xf32>, vector<4096x8xf32> -> vector<4096x8xf32>
    %transpose3A = tpu.transpose %dot_general3A_5, [1, 0] : vector<4096x8xf32> -> vector<8x4096xf32>
    %reshape3A = vector.shape_cast %transpose3A : vector<8x4096xf32> to vector<8x32x128xf32>
    %transpose3A_6 = tpu.transpose %reshape3A, [1, 0, 2] : vector<8x32x128xf32> -> vector<32x8x128xf32>
    %swap3A = arith.constant 0 : index
    %swap3A_7 = arith.constant 0 : index
    %swap3A_8 = arith.constant 0 : index
    %swap3A_9 = vector.load %arg3[%swap3A, %swap3A_7, %swap3A_8] : memref<32x8x128xf32, #tpu.memory_space<vmem>>, vector<32x8x128xf32>
    tpu.vector_store %arg3[%swap3A, %swap3A_7, %swap3A_8], %transpose3A_6 {strides = array<i32>} : memref<32x8x128xf32, #tpu.memory_space<vmem>>, vector<32x8x128xf32>,
    return
  }
  func.func @transform_0(%arg0: i32) -> (i32, i32) {
    %c0_i32 = arith.constant 0 : i32
    %c0_i32_0 = arith.constant 0 : i32
    return %arg0, %c0_i32 : i32, i32
  }
  func.func @transform_1(%arg0: i32) -> (i32, i32) {
    %c0_i32 = arith.constant 0 : i32
    %c0_i32_0 = arith.constant 0 : i32
    %c0_i32_1 = arith.constant 0 : i32
    return %c0_i32, %c0_i32_0 : i32, i32
  }
  func.func @transform_2(%arg0: i32) -> (i32, i32, i32) {
    %c0_i32 = arith.constant 0 : i32
    %c0_i32_0 = arith.constant 0 : i32
    %c0_i32_1 = arith.constant 0 : i32
    return %arg0, %c0_i32, %c0_i32_0 : i32, i32, i32
  }
}

</mosaic_0001>

<sc_bundles>
// kernel: kernel.4.cloned.1.call-start
scs
__scs_entry_jumppad:
0x0: {  	(pc) =	sbr.rel $0x88, $3  }
0x1: {  	(tag) =	ssettag $0x0;
	lr =	simm.s32 $0x1  }
0x2: {  	[smem:$0x3F9F] =	sst lr;
	_ =	strace $0xD0000000  }
0x3: {  	_ = 	snop  }
0x4: {  	_ = 	snop  }
0x5: {  	_ = 	snop  }
0x6: {  	_ = 	snop  }
0x7: {  	_ = 	snop  }
__scs_overlays_trampoline_lowered:
0x8: {  	[smem:$0x3FAE] =	sst s0  }
0x9: {  	[smem:$0x3FAF] =	sst s1  }
0xa: {  	[smem:$0x3FB0] =	sst s2  }
0xb: {  	[smem:$0x3FB1] =	sst s3  }
0xc: {  	[smem:$0x3FB2] =	sst s4  }
0xd: {  	[smem:$0x3FB3] =	sst s5  }
0xe: {  	[smem:$0x3FB4] =	sst s6  }
0xf: {  	[smem:$0x3FB5] =	sst s7  }
0x10: {  	[smem:$0x3FB6] =	sst s8  }
0x11: {  	[smem:$0x3FB7] =	sst s9;
	s0 =	simm.s32 @!p0 $0x0  }
0x12: {  	s1 =	sld [smem:$0x3F9D];
	s0 =	simm.s32 @p0 $0x1  }
0x13: {  	[smem:$0x3FB8] =	sst s0;
	s0 =	simm.s32 @!p1 $0x0  }
0x14: {  	s2 =	sld [smem:$0x3F9C];
	s0 =	simm.s32 @p1 $0x1  }
0x15: {  	[smem:$0x3FB9] =	sst s0;
	s0 =	simm.s32 @!p2 $0x0  }
0x16: {  	s3 =	sld [smem:$0x3FDB];
	s0 =	simm.s32 @p2 $0x1  }
0x17: {  	s4 =	simm.s32 $0x1BF5;
	[smem:$0x3FBB] =	sst s0  }
0x18: {  	s0 =	sld [smem:$0x3F9E];
	_ =	swait.ge [sflag:s4], $0x0  }
0x19: {  	s7 =	sld [smem:$0x3F9F]  }
0x1a: {  	s8 =	sadd.s32 $0xFFFFE003, lr  }
0x1b: {  	s9 =	sadd.s32 $0xFFFFFEF7, lr;
	s5 =	simm.s32 $0xFFFFFFFF;
	p2 =	slt.u32 s8, $0xFFFFF086  }
0x1c: {  	p1 =	slt.u32 s9, $0xF7A;
	s5 =	simm.s32 @!p2 $0x0  }
0x1d: {  	s5 =	simm.s32 @p1 $0x1;
	p0 =	seq.s32 s7, s2  }
0x1e: {  	s7 =	smul.u32 @!p0 $0xF7A, s2;
	p2 =	seq.s32 @!p0 s5, $0x0  }
0x1f: {  	s9 =	smul.u32 $0xF7A, s1;
	s8 =	simm.s32 @!p0 $0x1BF5;
	p2 =	por !p2, p0  }
0x20: {  	[sflag:s8] =	ssyncset.s32 @!p0 $0xFFFFF086;
	s6 =	sadd.s32 @!p0 s3, s7;
	s7 =	simm.s32 @!p0 $0x108  }
0x21: {  	s3 =	sadd.s32 s3, s9;
	s6 =	sadd.s32 @!p0 $0x88, s6;
	s7 =	simm.s32 @p2 $0x1082  }
0x22: {  	[simem:s7], [sflag:s8] =	dma.local @!p0 [hbm:s6], $0xF7A  }
0x23: {  	s9 =	sor.u32 $0xD0000000, s2;
	s6 =	simm.s32 $0x108;
	_ =	swait.ge @!p0 [sflag:s8], $0x0  }
0x24: {  	s3 =	sadd.s32 $0x88, s3;
	s6 =	simm.s32 @!p1 $0x1082;
	[sflag:s4] =	ssyncset.s32 $0xFFFFF086  }
0x25: {  	[simem:s6], [sflag:s4] =	dma.local [hbm:s3], $0xF7A  }
0x26: {  	[smem:$0x3F9F] =	sst s1;
	(tag) =	ssettag s2;
	_ =	strace s9  }
0x27: {  	s1 =	sld [smem:$0x3FAF]  }
0x28: {  	s2 =	sld [smem:$0x3FB0]  }
0x29: {  	s4 =	sld [smem:$0x3FB2]  }
0x2a: {  	p0 =	seq.s32 s5, $0x0;
	s5 =	sld [smem:$0x3FB3]  }
0x2b: {  	s6 =	sld [smem:$0x3FB4]  }
0x2c: {  	s7 =	sld [smem:$0x3FB5]  }
0x2d: {  	s3 =	simm.s32 $0x108;
	s8 =	sld [smem:$0x3FB6]  }
0x2e: {  	s3 =	simm.s32 @!p0 $0x1082;
	s9 =	sld [smem:$0x3FB7]  }
0x2f: {  	lr =	sadd.s32 s0, s3;
	s0 =	sld [smem:$0x3FAE]  }
0x30: {  	s3 =	sld [smem:$0x3FB1]  }
0x31: {  	[smem:$0x3FBA] =	sst s10  }
0x32: {  	s10 =	sld [smem:$0x3FB8];
	_ =	sdelay $0x3  }
0x33: {  	p0 =	seq.s32 s10, $0x1;
	s10 =	sld [smem:$0x3FBA];
	_ =	sdelay $0x3  }
0x34: {  	[smem:$0x3FBA] =	sst s10  }
0x35: {  	s10 =	sld [smem:$0x3FB9];
	_ =	sdelay $0x3  }
0x36: {  	p1 =	seq.s32 s10, $0x1;
	s10 =	sld [smem:$0x3FBA];
	_ =	sdelay $0x3  }
0x37: {  	[smem:$0x3FBA] =	sst s10  }
0x38: {  	s10 =	sld [smem:$0x3FBB]  }
0x39: {  	_ = 	snop;
	(pc) =	sbr.ind lr, $3  }
0x3a: {  	_ = 	snop  }
0x3b: {  	_ = 	snop  }
0x3c: {  	p2 =	seq.s32 s10, $0x1;
	s10 =	sld [smem:$0x3FBA]  }
0x3d: {  	_ =	shalt  }
0x3e: {  	_ =	shalt  }
0x3f: {  	_ =	shalt  }
0x40: {  	_ =	shalt  }
0x41: {  	_ =	shalt  }
0x42: {  	_ =	shalt  }
0x43: {  	_ =	shalt  }
0x44: {  	_ =	shalt  }
0x45: {  	_ =	shalt  }
0x46: {  	_ =	shalt  }
0x47: {  	_ =	shalt  }
0x48: {  	_ =	shalt  }
0x49: {  	_ =	shalt  }
0x4a: {  	_ =	shalt  }
0x4b: {  	_ =	shalt  }
0x4c: {  	_ =	shalt  }
0x4d: {  	_ =	shalt  }
0x4e: {  	_ =	shalt  }
0x4f: {  	_ =	shalt  }
0x50: {  	_ =	shalt  }
0x51: {  	_ =	shalt  }
0x52: {  	_ =	shalt  }
0x53: {  	_ =	shalt  }
0x54: {  	_ =	shalt  }
0x55: {  	_ =	shalt  }
0x56: {  	_ =	shalt  }
0x57: {  	_ =	shalt  }
0x58: {  	_ =	shalt  }
0x59: {  	_ =	shalt  }
0x5a: {  	_ =	shalt  }
0x5b: {  	_ =	shalt  }
0x5c: {  	_ =	shalt  }
0x5d: {  	_ =	shalt  }
0x5e: {  	_ =	shalt  }
0x5f: {  	_ =	shalt  }
0x60: {  	_ =	shalt  }
0x61: {  	_ =	shalt  }
0x62: {  	_ =	shalt  }
0x63: {  	_ =	shalt  }
0x64: {  	_ =	shalt  }
0x65: {  	_ =	shalt  }
0x66: {  	_ =	shalt  }
0x67: {  	_ =	shalt  }
0x68: {  	_ =	shalt  }
0x69: {  	_ =	shalt  }
0x6a: {  	_ =	shalt  }
0x6b: {  	_ =	shalt  }
0x6c: {  	_ =	shalt  }
0x6d: {  	_ =	shalt  }
0x6e: {  	_ =	shalt  }
0x6f: {  	_ =	shalt  }
0x70: {  	_ =	shalt  }
0x71: {  	_ =	shalt  }
0x72: {  	_ =	shalt  }
0x73: {  	_ =	shalt  }
0x74: {  	_ =	shalt  }
0x75: {  	_ =	shalt  }
0x76: {  	_ =	shalt  }
0x77: {  	_ =	shalt  }
0x78: {  	_ =	shalt  }
0x79: {  	_ =	shalt  }
0x7a: {  	_ =	shalt  }
0x7b: {  	_ =	shalt  }
0x7c: {  	_ =	shalt  }
0x7d: {  	_ =	shalt  }
0x7e: {  	_ =	shalt  }
0x7f: {  	_ =	shalt  }
0x80: {  	_ =	shalt  }
0x81: {  	_ =	shalt  }
0x82: {  	_ =	shalt  }
0x83: {  	_ =	shalt  }
0x84: {  	_ =	shalt  }
0x85: {  	_ =	shalt  }
0x86: {  	_ =	shalt  }
0x87: {  	_ =	shalt  }
.Lfunc_end0:
.L_simem_size_0:
called_computation_lowered:
.L_overlay_start_0:
0x88: {  	s2 =	sld [smem:$0x3FD9]  }
0x89: {  	s3 =	sld [smem:$0x3FFE];
	_ =	sdelay $0x1  }
0x8a: {  	s1 =	srdreg.scid  }
0x8b: {  	s0 =	sand.u32 $0x1, s1  }
0x8c: {  	s15 =	sshll.u32 s0, $0xA;
	s2 =	sadd.s32 s3, s2  }
0x8d: {  	s2 =	sadd.s32 s2, s15  }
0x8e: {  	[smem:$0x3FC6] =	sst s2  }
0x8f: {  	_ = 	snop  }
0x90: {  	s2 =	sld [smem:$0x3FD0];
	_ =	sdelay $0x2  }
0x91: {  	s16 =	simm.s32 $0xA;
	s4 =	simm.s32 $0x10  }
0x92: {  	[smem:s4], [sflag:s16] =	dma.local [hbm:s2], $0x1  }
0x93: {  	_ =	swait.eq [sflag:s16], $0x1  }
0x94: {  	s17 =	sld [smem:$0x10];
	[sflag:s16] =	ssyncset.done $0x0  }
0x95: {  	s18 =	sld [smem:$0x11];
	[sflag:s16] =	ssyncadd.s32 $0xFFFFFFFF  }
0x96: {  	s19 =	sld [smem:$0x12];
	(tm) =	ssettm $0x1  }
0x97: {  	s5 =	sld [smem:$0x3FFB];
	_ =	sdelay $0x3  }
0x98: {  	_ =	strace s5  }
0x99: {  	s5 =	sld [smem:$0x3FFC];
	_ =	sdelay $0x3  }
0x9a: {  	_ =	strace s5  }
0x9b: {  	s5 =	sld [smem:$0x3FFD];
	_ =	sdelay $0x3  }
0x9c: {  	_ =	strace s5  }
0x9d: {  	_ =	strace $0x8FFFFFFF  }
0x9e: {  	s20 =	sld [smem:$0x3FDB];
	_ =	sdelay $0x1  }
0x9f: {  	s6 =	simm.s32 $_scs_section_size  }
0xa0: {  	s7 =	simm.s32 $_size__tile_overlayer_lowered;
	s8 =	simm.s32 $_tile_overlayer_lowered  }
0xa1: {  	s23 =	simm.s32 $0x1BFF;
	s22 =	sshll.u32 s8, $0x1;
	s5 =	sadd.s32 s6, s20  }
0xa2: {  	s9 =	simm.s32 $0x0;
	s21 =	sshll.u32 s7, $0x1;
	s7 =	sadd.s32 s22, s5  }
0xa3: {  	[timem:s9], [sflag:s23] =	dma.local [hbm:s7], s21  }
0xa4: {  	_ =	swait.ge [sflag:s23], s21  }
0xa5: {  	s6 =	ssub.s32 $0x0, s21;
	[sflag:s23] =	ssyncset.done $0x0  }
0xa6: {  	[sflag:s23] =	ssyncadd.s32 s6;
	_ =	sdelay $0x1  }
0xa7: {  	s24 =	simm.s32 $0x1B8B  }
0xa8: {  	_ =	swait.ge [sflag:s24], $0x1  }
0xa9: {  	[sflag:s24] =	ssyncset.done $0x0  }
0xaa: {  	s25 =	simm.s32 $0x1B8E;
	[sflag:s24] =	ssyncadd.s32 $0xFFFFFFFF  }
0xab: {  	s26 =	simm.s32 $execute0_lowered;
	[smem:$0x3FD2] =	sst s25  }
0xac: {  	s6 =	sshll.u32 s26, $0x1;
	_ =	strace $0x80000046;
	[dreg:$0x1] =	wrdreg $0xFFFFFFFF  }
0xad: {  	s28 =	simm.s32 $_size_execute0_lowered;
	s5 =	sadd.s32 s5, s6;
	[dreg:$0x0] =	wrdreg $0x0  }
0xae: {  	s6 =	sshll.u32 s28, $0x1;
	[dreg:$0x2] =	wrdreg s5  }
0xaf: {  	[dreg:$0x3] =	wrdreg s6  }
0xb0: {  	[dreg:$0x4] =	wrdreg $0xC0  }
0xb1: {  	_ =	task [dreg:s9], $0x5FFFF  }
0xb2: {  	[dreg:$0x1] =	wrdreg $0xFFFFFFFF  }
0xb3: {  	[dreg:$0x0] =	wrdreg $0x60  }
0xb4: {  	[dreg:$0x2] =	wrdreg s19  }
0xb5: {  	[dreg:$0x3] =	wrdreg s17  }
0xb6: {  	[dreg:$0x4] =	wrdreg s18  }
0xb7: {  	[dreg:$0x5] =	wrdreg $0x9  }
0xb8: {  	_ =	task.clear_ibuf [dreg:s9], $0x6FFFF;
	_ =	strace $0x90000046  }
0xb9: {  	s29 =	simm.s32 $0x9;
	_ =	strace $0x80000048  }
0xba: {  	_ =	swait.ge [sflag:s29], $0x1  }
0xbb: {  	[sflag:s29] =	ssyncadd.s32 $0xFFFFFFFF  }
0xbc: {  	_ =	strace $0x90000048  }
0xbd: {  	_ =	sfence  }
0xbe: {  	s30 =	sld [smem:$0x0];
	_ =	sdelay $0x2  }
0xbf: {  	s31 =	sshll.u32 s1, $0xD;
	s1 =	sshrl.u32 s1, $0x2  }
0xc0: {  	s3 =	sand.u32 $0x4000, s31;
	s1 =	sadd.s32 s1, s30  }
0xc1: {  	s0 =	sor.u32 s3, s0;
	s1 =	sshll.u32 s1, $0x11  }
0xc2: {  	s0 =	sor.u32 s1, s0  }
0xc3: {  	s0 =	sadd.s32 $0x8F2B, s0  }
0xc4: {  	[sflag:s0] =	ssyncadd.remote.s32 $0x1  }
0xc5: {  	_ =	sfence.sel $0xFFFF  }
0xc6: {  	[dreg:$0x0] =	wrdreg $0xFFFFFFFF;
	(pc) =	sbr.abs _section_cstart, $3  }
0xc7: {  	[dreg:$0x1] =	wrdreg $0xFFFFFFFF  }
0xc8: {  	_ =	task.clear_ibuf [dreg:s9], $0x2FFFF;
	_ =	strace $0x9FFFFFFF  }
0xc9: {  	(tm) =	ssettm $0x7FFFFFFF  }
tec
execute0_lowered:
.L_overlay_start_1:
0x0: {  	(tag) =	ssettag $0x1  }
0x1: {  	s3 =	rddreg [dreg:$0x0]  }
0x2: {  	s4 =	rddreg [dreg:$0x1]  }
0x3: {  	s5 =	rddreg [dreg:$0x2]  }
0x4: {  	s0 =	rddreg [dreg:$0x3]  }
0x5: {  	s2 =	simm.s32 $0x0;
	s6 =	srdreg.scid;
	s1 =	stileid.u32  }
0x6: {  	s10 =	simm.s32 $0x0;
	s6 =	sand.u32 $0x1, s6;
	s7 =	sshll.u32 s1, $0x1  }
0x7: {  	[smem:$0x7FF] =	sst s2;
	s8 =	ssub.s32 $0x2, s6;
	s6 =	sor.u32 s6, s7  }
0x8: {  	_ =	strace $0x80000047;
	s31 =	sshrl.u32 s8, $0x1;
	s9 =	sshll.u32 s6, $0xA  }
0x9: {  	s6 =	sshll.u32 s6, $0x8;
	s7 =	ssub.s32 s8, s31;
	s3 =	sadd.s32 s3, s9  }
0xa: {  	s4 =	sadd.s32 s4, s6;
	s5 =	sadd.s32 s5, s6;
	s8 =	simm.s32 $0x2000  }
0xb: {  	v0 =	vimm.s32 $0x8;
	s9 =	simm.s32 $0x2800;
	s6 =	smax.u32 s7, $0x1;
	s7 =	simm.s32 $0x1  }
.LBB2_1:
0xc: {  	[tilespmem:s2], [sflag:$0x1] =	stream.linear.gather [hbm4b:s3+s2], $0x2000, $0x38;
	[tilespmem:$0x3000] =	vst v63  }
0xd: {  	s12 =	simm.s32 $0x0;
	_ =	swait.ge [sflag:s7], $0x2000  }
0xe: {  	s11 =	sand.u32 $0x70, s2;
	s12 =	sand.u32 $0x3FFFFC00, s12;
	[sflag:s7] =	ssyncset.done $0x0  }
0xf: {  	s12 =	sor.u32 s11, s12;
	[sflag:s7] =	ssyncadd.s32 $0xFFFFE000  }
0x10: {  	v1 =	vld [tilespmem:s12+$0x0]  }
0x11: {  	v2 =	vld [tilespmem:s12+$0x80]  }
0x12: {  	v3 =	vld [tilespmem:s12+$0x100]  }
0x13: {  	v4 =	vld [tilespmem:s12+$0x180]  }
0x14: {  	v5 =	vld [tilespmem:s12+$0x200]  }
0x15: {  	v6 =	vld [tilespmem:s12+$0x280]  }
0x16: {  	v7 =	vld [tilespmem:s12+$0x300];
	v8 =	vmax.f32 v1, v2  }
0x17: {  	v9 =	vld [tilespmem:s12+$0x380];
	v8 =	vmax.f32 v8, v3  }
0x18: {  	v8 =	vmax.f32 v8, v4  }
0x19: {  	v8 =	vmax.f32 v8, v5  }
0x1a: {  	v8 =	vmax.f32 v8, v6  }
0x1b: {  	v8 =	vmax.f32 v8, v7  }
0x1c: {  	v8 =	vmax.f32 v8, v9  }
0x1d: {  	vm0 =	veq.f32 v9, v8  }
0x1e: {  	vm1 =	veq.f32 v7, v8;
	v10 =	vsel vm0, $0x7, v0  }
0x1f: {  	vm8 =	veq.f32 v6, v8;
	v10 =	vsel vm1, $0x6, v10  }
0x20: {  	vm9 =	veq.f32 v5, v8;
	v10 =	vsel vm8, $0x5, v10  }
0x21: {  	vm10 =	veq.f32 v4, v8;
	v10 =	vsel vm9, $0x4, v10  }
0x22: {  	vm11 =	veq.f32 v3, v8;
	v10 =	vsel vm10, $0x3, v10  }
0x23: {  	vm12 =	veq.f32 v2, v8;
	v10 =	vsel vm11, $0x2, v10  }
0x24: {  	vm13 =	vne.f32 v1, v8;
	v10 =	vsel vm12, $0x1, v10  }
0x25: {  	vm0 =	vmand vm13, vm12;
	v10 =	vnsel vm13, $0x0, v10  }
0x26: {  	v11 =	vnsel vm13, $0xFF800000, v1;
	v2 =	vsel vm0, $0xFF800000, v2;
	vm14 =	veq.s32 v10, $0x2  }
0x27: {  	v1 =	vmax.f32 v11, v2;
	vm15 =	veq.s32 v10, $0x3;
	v3 =	vsel vm14, $0xFF800000, v3  }
0x28: {  	vm4 =	veq.s32 v10, $0x4;
	v4 =	vsel vm15, $0xFF800000, v4;
	v1 =	vmax.f32 v1, v3  }
0x29: {  	vm5 =	veq.s32 v10, $0x5;
	v5 =	vsel vm4, $0xFF800000, v5;
	v1 =	vmax.f32 v1, v4  }
0x2a: {  	vm6 =	veq.s32 v10, $0x6;
	v6 =	vsel vm5, $0xFF800000, v6;
	v1 =	vmax.f32 v1, v5  }
0x2b: {  	vm7 =	veq.s32 v10, $0x7;
	v7 =	vsel vm6, $0xFF800000, v7;
	v1 =	vmax.f32 v1, v6  }
0x2c: {  	v9 =	vsel vm7, $0xFF800000, v9;
	v1 =	vmax.f32 v1, v7  }
0x2d: {  	v12 =	vmax.f32 v1, v9  }
0x2e: {  	v1 =	vsub.f32 v12, v8;
	_ =	sdelay $0x1  }
0x2f: {  	v1 =	vmul.f32 $1.442695020e+00, v1;
	_ =	sdelay $0x1  }
0x30: {  	(erf) = vpow2.f32 v1;
	_ =	sdelay $0x8  }
0x31: {  	v1 =	vpop (erf)  }
0x32: {  	vm8 =	veq.f32 v9, v12;
	v59 =	vadd.f32 $1.000000000e+00, v1  }
0x33: {  	vm9 =	veq.f32 v7, v12;
	v60 =	vsel vm8, $0x7, v0  }
0x34: {  	vm10 =	veq.f32 v6, v12;
	v61 =	vsel vm9, $0x6, v60;
	(erf) = vrcp.f32 v59  }
0x35: {  	vm11 =	veq.f32 v5, v12;
	v62 =	vsel vm10, $0x5, v61  }
0x36: {  	vm12 =	veq.f32 v4, v12;
	v63 =	vsel vm11, $0x4, v62  }
0x37: {  	vm13 =	veq.f32 v3, v12;
	v3 =	vsel vm12, $0x3, v63  }
0x38: {  	vm14 =	veq.f32 v2, v12;
	v2 =	vsel vm13, $0x2, v3  }
0x39: {  	s31 =	simm.s32 $0x0;
	vm15 =	veq.f32 v11, v12;
	v2 =	vsel vm14, $0x1, v2  }
0x3a: {  	s12 =	sand.u32 $0xFFFFFF00, s31;
	v2 =	vsel vm15, $0x0, v2  }
0x3b: {  	s14 =	sor.u32 s11, s12  }
0x3c: {  	[tilespmem:s14+$0x2800] =	vst v10  }
0x3d: {  	s15 =	simm.s32 $0x2;
	s11 =	simm.s32 $0x1;
	s12 =	simm.s32 $0x0;
	[tilespmem:s14+$0x2880] =	vst v2;
	v2 =	vpop (erf)  }
.LBB2_2:
0x3e: {  	s17 =	sshll.u32 s11, $0x7  }
0x3f: {  	v1 =	vmul.f32 v2, v1;
	[tilespmem:s14+$0x2000] =	vst v2;
	s12 =	sadd.s32 $0x10, s12;
	s16 =	smov.u32 s15;
	s13 =	sadd.s32 $0x1, s15  }
0x40: {  	p0 =	sne.s32 s15, $0x3F;
	s15 =	sand.u32 $0x70, s12;
	s17 =	sand.u32 $0x3FFFFC00, s17  }
0x41: {  	s17 =	sor.u32 s15, s17;
	[tilespmem:s14+$0x2080] =	vst v1  }
0x42: {  	v1 =	vld [tilespmem:s17+$0x100]  }
0x43: {  	v2 =	vld [tilespmem:s17+$0x0]  }
0x44: {  	v3 =	vld [tilespmem:s17+$0x80]  }
0x45: {  	v4 =	vld [tilespmem:s17+$0x180]  }
0x46: {  	v5 =	vld [tilespmem:s17+$0x200]  }
0x47: {  	v6 =	vld [tilespmem:s17+$0x280]  }
0x48: {  	v7 =	vld [tilespmem:s17+$0x300]  }
0x49: {  	v8 =	vld [tilespmem:s17+$0x380];
	v9 =	vmax.f32 v2, v3  }
0x4a: {  	v9 =	vmax.f32 v9, v1  }
0x4b: {  	v9 =	vmax.f32 v9, v4  }
0x4c: {  	v9 =	vmax.f32 v9, v5  }
0x4d: {  	v9 =	vmax.f32 v9, v6  }
0x4e: {  	v9 =	vmax.f32 v9, v7  }
0x4f: {  	v9 =	vmax.f32 v9, v8  }
0x50: {  	vm0 =	veq.f32 v8, v9;
	vm1 =	veq.f32 v7, v9;
	vm2 =	vne.f32 v2, v9  }
0x51: {  	vm3 =	veq.f32 v1, v9;
	v10 =	vsel vm0, $0x7, v0;
	vm0 =	veq.f32 v6, v9  }
0x52: {  	vm4 =	veq.f32 v3, v9;
	v10 =	vsel vm1, $0x6, v10;
	vm1 =	veq.f32 v5, v9  }
0x53: {  	vm5 =	vmand vm2, vm4;
	v10 =	vsel vm0, $0x5, v10;
	vm0 =	veq.f32 v4, v9  }
0x54: {  	v2 =	vnsel vm2, $0xFF800000, v2;
	v3 =	vsel vm5, $0xFF800000, v3;
	v10 =	vsel vm1, $0x4, v10  }
0x55: {  	v10 =	vsel vm0, $0x3, v10  }
0x56: {  	s14 =	sshll.u32 s11, $0x5;
	s11 =	smov.u32 s16;
	v10 =	vsel vm3, $0x2, v10  }
0x57: {  	s14 =	sand.u32 $0xFFFFFF00, s14;
	v10 =	vsel vm4, $0x1, v10  }
0x58: {  	s14 =	sor.u32 s15, s14;
	v11 =	vmax.f32 v2, v3;
	v10 =	vnsel vm2, $0x0, v10  }
0x59: {  	vm0 =	veq.s32 v10, $0x2;
	vm1 =	veq.s32 v10, $0x3;
	vm2 =	veq.s32 v10, $0x4;
	[tilespmem:s14+$0x2800] =	vst v10  }
0x5a: {  	v1 =	vsel vm0, $0xFF800000, v1;
	v4 =	vsel vm1, $0xFF800000, v4;
	vm0 =	veq.s32 v10, $0x5  }
0x5b: {  	v5 =	vsel vm2, $0xFF800000, v5;
	vm1 =	veq.s32 v10, $0x6;
	v11 =	vmax.f32 v11, v1  }
0x5c: {  	v6 =	vsel vm0, $0xFF800000, v6;
	vm0 =	veq.s32 v10, $0x7;
	v10 =	vmax.f32 v11, v4  }
0x5d: {  	v7 =	vsel vm1, $0xFF800000, v7;
	v10 =	vmax.f32 v10, v5  }
0x5e: {  	v8 =	vsel vm0, $0xFF800000, v8;
	v10 =	vmax.f32 v10, v6  }
0x5f: {  	v10 =	vmax.f32 v10, v7  }
0x60: {  	v10 =	vmax.f32 v10, v8  }
0x61: {  	vm0 =	veq.f32 v8, v10;
	vm1 =	veq.f32 v6, v10;
	v6 =	vsub.f32 v10, v9  }
0x62: {  	vm2 =	veq.f32 v5, v10;
	v8 =	vsel vm0, $0x7, v0;
	vm0 =	veq.f32 v7, v10  }
0x63: {  	v5 =	vsel vm0, $0x6, v8;
	vm0 =	veq.f32 v4, v10;
	v4 =	vmul.f32 $1.442695020e+00, v6  }
0x64: {  	vm3 =	veq.f32 v2, v10;
	v5 =	vsel vm1, $0x5, v5;
	vm1 =	veq.f32 v3, v10  }
0x65: {  	v2 =	vsel vm2, $0x4, v5;
	vm2 =	veq.f32 v1, v10;
	(erf) = vpow2.f32 v4  }
0x66: {  	v1 =	vsel vm0, $0x3, v2  }
0x67: {  	v1 =	vsel vm2, $0x2, v1  }
0x68: {  	v1 =	vsel vm1, $0x1, v1  }
0x69: {  	v1 =	vsel vm3, $0x0, v1  }
0x6a: {  	[tilespmem:s14+$0x2880] =	vst v1;
	_ =	sdelay $0x3  }
0x6b: {  	v1 =	vpop (erf)  }
0x6c: {  	v2 =	vadd.f32 $1.000000000e+00, v1;
	_ =	sdelay $0x1  }
0x6d: {  	(erf) = vrcp.f32 v2;
	_ =	sdelay $0x4  }
.Ltmp0:
0x6e: {  	(pc) =	sbr.rel @p0 .LBB2_2-.Ltmp0, $2  }
0x6f: {  	_ =	sdelay $0x2  }
0x70: {  	s15 =	smov.u32 s13;
	v2 =	vpop (erf)  }
0x71: {  	s13 =	sshll.u32 s11, $0x7;
	v1 =	vmul.f32 v2, v1;
	s12 =	sadd.s32 $0x10, s12  }
0x72: {  	[tilespmem:s14+$0x2000] =	vst v2;
	s12 =	sand.u32 $0x70, s12;
	s13 =	sand.u32 $0x3FFFFC00, s13  }
0x73: {  	s13 =	sor.u32 s12, s13;
	[tilespmem:s14+$0x2080] =	vst v1  }
0x74: {  	v1 =	vld [tilespmem:s13+$0x0]  }
0x75: {  	v2 =	vld [tilespmem:s13+$0x80]  }
0x76: {  	v3 =	vld [tilespmem:s13+$0x100]  }
0x77: {  	v4 =	vld [tilespmem:s13+$0x180]  }
0x78: {  	v5 =	vld [tilespmem:s13+$0x200]  }
0x79: {  	v6 =	vld [tilespmem:s13+$0x280]  }
0x7a: {  	v7 =	vld [tilespmem:s13+$0x300];
	v8 =	vmax.f32 v1, v2  }
0x7b: {  	v9 =	vld [tilespmem:s13+$0x380];
	v8 =	vmax.f32 v8, v3  }
0x7c: {  	v8 =	vmax.f32 v8, v4  }
0x7d: {  	v8 =	vmax.f32 v8, v5  }
0x7e: {  	v8 =	vmax.f32 v8, v6  }
0x7f: {  	v8 =	vmax.f32 v8, v7  }
0x80: {  	v8 =	vmax.f32 v8, v9  }
0x81: {  	vm0 =	veq.f32 v9, v8  }
0x82: {  	vm1 =	veq.f32 v7, v8;
	v10 =	vsel vm0, $0x7, v0  }
0x83: {  	vm8 =	veq.f32 v6, v8;
	v10 =	vsel vm1, $0x6, v10  }
0x84: {  	vm9 =	veq.f32 v5, v8;
	v10 =	vsel vm8, $0x5, v10  }
0x85: {  	vm10 =	veq.f32 v4, v8;
	v10 =	vsel vm9, $0x4, v10  }
0x86: {  	vm11 =	veq.f32 v3, v8;
	v10 =	vsel vm10, $0x3, v10  }
0x87: {  	vm12 =	veq.f32 v2, v8;
	v10 =	vsel vm11, $0x2, v10  }
0x88: {  	vm13 =	vne.f32 v1, v8;
	v10 =	vsel vm12, $0x1, v10  }
0x89: {  	vm0 =	vmand vm13, vm12;
	v10 =	vnsel vm13, $0x0, v10  }
0x8a: {  	v1 =	vnsel vm13, $0xFF800000, v1;
	v2 =	vsel vm0, $0xFF800000, v2;
	vm14 =	veq.s32 v10, $0x2  }
0x8b: {  	v11 =	vmax.f32 v1, v2;
	vm15 =	veq.s32 v10, $0x3;
	v3 =	vsel vm14, $0xFF800000, v3  }
0x8c: {  	vm4 =	veq.s32 v10, $0x4;
	v4 =	vsel vm15, $0xFF800000, v4;
	v11 =	vmax.f32 v11, v3  }
0x8d: {  	vm5 =	veq.s32 v10, $0x5;
	v5 =	vsel vm4, $0xFF800000, v5;
	v11 =	vmax.f32 v11, v4  }
0x8e: {  	vm6 =	veq.s32 v10, $0x6;
	v6 =	vsel vm5, $0xFF800000, v6;
	v11 =	vmax.f32 v11, v5  }
0x8f: {  	vm7 =	veq.s32 v10, $0x7;
	v7 =	vsel vm6, $0xFF800000, v7;
	v11 =	vmax.f32 v11, v6  }
0x90: {  	v9 =	vsel vm7, $0xFF800000, v9;
	v11 =	vmax.f32 v11, v7  }
0x91: {  	v11 =	vmax.f32 v11, v9  }
0x92: {  	v8 =	vsub.f32 v11, v8;
	_ =	sdelay $0x1  }
0x93: {  	v8 =	vmul.f32 $1.442695020e+00, v8;
	_ =	sdelay $0x1  }
0x94: {  	(erf) = vpow2.f32 v8;
	_ =	sdelay $0x8  }
0x95: {  	v8 =	vpop (erf)  }
0x96: {  	v12 =	vadd.f32 $1.000000000e+00, v8;
	_ =	sdelay $0x1  }
0x97: {  	vm8 =	veq.f32 v9, v11;
	(erf) = vrcp.f32 v12  }
0x98: {  	vm9 =	veq.f32 v7, v11;
	v9 =	vsel vm8, $0x7, v0  }
0x99: {  	vm10 =	veq.f32 v6, v11;
	v61 =	vsel vm9, $0x6, v9  }
0x9a: {  	vm11 =	veq.f32 v5, v11;
	v62 =	vsel vm10, $0x5, v61  }
0x9b: {  	vm12 =	veq.f32 v4, v11;
	v63 =	vsel vm11, $0x4, v62  }
0x9c: {  	vm13 =	veq.f32 v3, v11;
	v3 =	vsel vm12, $0x3, v63  }
0x9d: {  	s31 =	sshll.u32 s11, $0x5;
	vm14 =	veq.f32 v2, v11;
	v2 =	vsel vm13, $0x2, v3  }
0x9e: {  	s11 =	sand.u32 $0xFFFFFF00, s31  }
0x9f: {  	s11 =	sor.u32 s12, s11;
	vm15 =	veq.f32 v1, v11;
	v1 =	vsel vm14, $0x1, v2  }
0xa0: {  	[tilespmem:s11+$0x2800] =	vst v10;
	v1 =	vsel vm15, $0x0, v1;
	v2 =	vpop (erf)  }
0xa1: {  	[tilespmem:s11+$0x2880] =	vst v1;
	v1 =	vmul.f32 v2, v8  }
0xa2: {  	[tilespmem:s11+$0x2000] =	vst v2  }
0xa3: {  	[tilespmem:s11+$0x2080] =	vst v1  }
0xa4: {  	[hbm4b:s4+s2] =	stream.linear.scatter [tilespmem:s8], [sflag:$0x1], $0x800, $0x38;
	[tilespmem:$0x3000] =	vst v63  }
0xa5: {  	s10 =	sadd.s32 $0x1, s10;
	_ =	swait.ge [sflag:s7], $0x800  }
0xa6: {  	p0 =	sne.s32 s10, s6;
	[sflag:s7] =	ssyncset.done $0x0  }
.Ltmp1:
0xa7: {  	[sflag:s7] =	ssyncadd.s32 $0xFFFFF800;
	(pc) =	sbr.rel @p0 .LBB2_1-.Ltmp1, $4  }
0xa8: {  	[hbm4b:s5+s2] =	stream.linear.scatter [tilespmem:s9], [sflag:$0x1], $0x800, $0x38;
	[tilespmem:$0x3000] =	vst v63  }
0xa9: {  	_ =	swait.ge [sflag:s7], $0x800  }
0xaa: {  	[sflag:s7] =	ssyncset.done $0x0  }
0xab: {  	[sflag:s7] =	ssyncadd.s32 $0xFFFFF800  }
0xac: {  	_ =	sfence.sel $0x180000  }
0xad: {  	[bflag:$0x0] =	sbarrier.arrive $0xFFFF  }
0xae: {  	p0 =	sne.s32 s1, $0x0;
	_ =	strace $0x90000047  }
0xaf: {  	s0 =	sadd.s32 @!p0 $0x100000, s0;
	[bflag:$0x2] =	sbarrier.arrive $0xFFFF  }
0xb0: {  	[sflag:s0] =	ssyncadd.tile.s32 @!p0 $0x1;
	_ =	shalt  }
.Lfunc_end2:
_tile_overlayer_lowered:
.L_overlay_start_2:
0xb1: {  	(tag) =	ssettag $0x2  }
0xb2: {  	s0 =	rddreg [dreg:$0x0];
	s2 =	stileid.u32  }
0xb3: {  	s1 =	rddreg [dreg:$0x1];
	p0 =	sne.s32 s2, $0x0  }
0xb4: {  	s3 =	rddreg [dreg:$0x2];
	[bflag:$0x3] =	sbarrier.arrive $0xFFFF;
	s2 =	simm.s32 @!p0 $0x1C01  }
0xb5: {  	[timem:s3], [sflag:s2] =	dma.local @!p0 [hbm:s0], s1  }
0xb6: {  	s0 =	simm.s32 @!p0 $0x1  }
0xb7: {  	_ =	swait.ge @!p0 [sflag:s0], s1  }
0xb8: {  	s1 =	ssub.s32 @!p0 $0x0, s1;
	[sflag:s0] =	ssyncset.done @!p0 $0x0  }
0xb9: {  	[sflag:s0] =	ssyncadd.s32 @!p0 s1  }
0xba: {  	[bflag:$0x3] =	sbarrier.arrive $0xFFFF  }
0xbb: {  	_ =	shalt  }

</sc_bundles>
